<compile_context>
chip_gen: v7x
topology: tpu7x:2x2x1
jax: 0.10.2.dev20260603
libtpu: 0.0.44.dev20260713+nightly
codegen_flags: <defaults>
</compile_context>

<pallas_src>
import functools

import jax
import jax.numpy as jnp
from jax import lax
from jax.experimental import pallas as pl
from jax.experimental.pallas import tpu as pltpu
from jax.experimental.pallas import tpu_sc as plsc

_R = 32
_L = 16
_NB = 3
_NP = 2


def kernel(encoded_tokens, pos_table):
    batch, num_tokens, embed = encoded_tokens.shape
    n_rows = batch * num_tokens
    tokens2d = encoded_tokens.reshape(n_rows, embed)

    info = plsc.get_sparse_core_info()
    nc, ns = info.num_cores, info.num_subcores
    nw = nc * ns
    rows_pw = n_rows // nw
    n_chunks = rows_pw // _R
    assert rows_pw % _R == 0 and num_tokens % rows_pw == 0 and n_chunks >= _NB

    mesh = plsc.VectorSubcoreMesh(core_axis_name="c", subcore_axis_name="s")

    @functools.partial(
        pl.kernel,
        mesh=mesh,
        out_type=jax.ShapeDtypeStruct((n_rows, embed), jnp.float32),
        scratch_types=[
            pltpu.VMEM((_NB, _R, embed), jnp.float32),
            pltpu.VMEM((_NP, _R, embed), jnp.float32),
            pltpu.SemaphoreType.DMA((_NB,)),
            pltpu.SemaphoreType.DMA((_NP,)),
            pltpu.SemaphoreType.DMA((_NB,)),
        ],
    )
    def sc_add(tok_hbm, pos_hbm, out_hbm, tok_v, pos_v, tsem, psem, osem):
        wid = lax.axis_index("s") * nc + lax.axis_index("c")
        row0 = wid * rows_pw
        t0 = lax.rem(row0, num_tokens)

        def start_tok(g, b):
            pltpu.async_copy(
                tok_hbm.at[pl.ds(row0 + g * _R, _R)], tok_v.at[b], tsem.at[b]
            )

        def start_pos(g, p):
            pltpu.async_copy(
                pos_hbm.at[pl.ds(t0 + g * _R, _R)], pos_v.at[p], psem.at[p]
            )

        def wait_tok(b):
            pltpu.make_async_copy(
                tok_hbm.at[pl.ds(row0, _R)], tok_v.at[b], tsem.at[b]
            ).wait()

        def wait_pos(p):
            pltpu.make_async_copy(
                pos_hbm.at[pl.ds(t0, _R)], pos_v.at[p], psem.at[p]
            ).wait()

        def start_out(g, b):
            pltpu.async_copy(
                tok_v.at[b], out_hbm.at[pl.ds(row0 + g * _R, _R)], osem.at[b]
            )

        def wait_out(b):
            pltpu.make_async_copy(
                tok_v.at[b], out_hbm.at[pl.ds(row0, _R)], osem.at[b]
            ).wait()

        for b in range(2):
            start_tok(b, b)
        for p in range(_NP):
            start_pos(p, p)

        def chunk_body(g, carry):
            b = lax.rem(g, _NB)
            p = lax.rem(g, _NP)

            @pl.when(g + 2 < n_chunks)
            def _():
                nb = lax.rem(g + 2, _NB)

                @pl.when(g >= 1)
                def _():
                    wait_out(nb)

                start_tok(g + 2, nb)

            @pl.when(g + 1 < n_chunks)
            def _():
                start_pos(g + 1, lax.rem(g + 1, _NP))

            wait_tok(b)
            wait_pos(p)

            def add_row(r, c):
                for i in range(embed // _L):
                    plsc.addupdate(
                        tok_v.at[b, r, pl.ds(i * _L, _L)],
                        pos_v[p, r, pl.ds(i * _L, _L)],
                    )
                return c

            start_out(g, b)
            return carry

        lax.fori_loop(0, n_chunks, chunk_body, 0)
        for b in range(_NB):
            wait_out(b)

    out = sc_add(tokens2d, pos_table)
    return out.reshape(batch, num_tokens, embed)

# --- scband reference (transcript-rebuilt; emitter-appended) ---
"""Pipeline reference for scband-positional-encoder-23733989277870 (READ-ONLY COPY).

The authoritative reference and input builder live on the scoring server;
editing this copy changes nothing except your own understanding.
"""

import jax, jax.numpy as jnp
import numpy as np

BATCH = 4
NUM_TOKENS = 8192
EMBED_DIM = 768

def setup_inputs(seed: int = 0) -> dict:
    key = jax.random.key(seed)
    k1, k2 = jax.random.split(key)
    encoded_tokens = jax.random.normal(k1, (BATCH, NUM_TOKENS, EMBED_DIM), dtype=jnp.float32)
    # learned position embedding table, built as Embedding(input_dim=num_tokens, output_dim=embed_dim)
    pos_table = jax.random.normal(k2, (NUM_TOKENS, EMBED_DIM), dtype=jnp.float32) * 0.02
    return {"encoded_tokens": encoded_tokens, "pos_table": pos_table}

def reference(encoded_tokens, pos_table):
    # positions = tf.range(0, num_tokens)
    positions = jnp.arange(pos_table.shape[0])
    # encoded_positions = embedding lookup of positions -> gather rows of the table
    encoded_positions = jnp.take(pos_table, positions, axis=0)  # [num_tokens, embed_dim]
    # broadcast-add over batch dim
    return encoded_tokens + encoded_positions[None, :, :]

if __name__ == "__main__":
    import jax
    _d = setup_inputs()
    print(jax.jit(kernel)(*tuple(_d.values())))

</pallas_src>

<mosaic_0001>
#map = affine_map<(d0, d1) -> (0, 0)>
module attributes {stable_mosaic.version = 14 : i64} {
  func.func @sc_add(%arg0: i32, %arg1: i32, %arg2: memref<32768x768xf32, #tpu.memory_space<hbm>>, %arg3: memref<8192x768xf32, #tpu.memory_space<hbm>>, %arg4: memref<32768x768xf32, #tpu.memory_space<hbm>>, %arg5: memref<3x32x768xf32, #tpu.memory_space<vmem>>, %arg6: memref<2x32x768xf32, #tpu.memory_space<vmem>>, %arg7: memref<3x!tpu.dma_semaphore, #tpu.memory_space<semaphore_mem>>, %arg8: memref<2x!tpu.dma_semaphore, #tpu.memory_space<semaphore_mem>>, %arg9: memref<3x!tpu.dma_semaphore, #tpu.memory_space<semaphore_mem>>) attributes {dimension_semantics = [#tpu.dimension_semantics<core_parallel>, #tpu.dimension_semantics<subcore_parallel>], iteration_bounds = array<i64: 2, 16>, scalar_prefetch = 0 : i64, scratch_operands = 5 : i64, tpu.core_type = #tpu.core_type<sc_vector_subcore>, window_params = [{transform_indices = #map}, {transform_indices = #map}, {transform_indices = #map}]} {
    %mul3A = arith.constant 2 : i32
    %mul3A_0 = arith.muli %arg1, %mul3A : i32
    %add3A = arith.addi %mul3A_0, %arg0 : i32
    %mul3A_1 = arith.constant 1024 : i32
    %mul3A_2 = arith.muli %add3A, %mul3A_1 : i32
    %rem3A = arith.constant 8192 : i32
    %rem3A_3 = arith.remsi %mul3A_2, %rem3A : i32
    %add3A_4 = arith.constant 0 : i32
    %add3A_5 = arith.addi %mul3A_2, %add3A_4 : i32
    %dma_start3A = arith.constant 0 : i32
    %dma_start3A_6 = arith.constant 0 : i32
    %dma_start3A_7 = arith.constant 0 : i32
    %dma_start3A_8 = arith.constant 0 : i32
    %dma_start3A_9 = tpu.memref_slice %arg5[%dma_start3A, %dma_start3A_7, %dma_start3A_8] : memref<3x32x768xf32, #tpu.memory_space<vmem>> -> memref<1x32x768xf32, #tpu.memory_space<vmem>>
    %dma_start3A_10 = tpu.memref_squeeze %dma_start3A_9 : memref<1x32x768xf32, #tpu.memory_space<vmem>> -> memref<32x768xf32, #tpu.memory_space<vmem>>
    %dma_start3A_11 = arith.constant 0 : i32
    %dma_start3A_12 = tpu.memref_slice %arg2[%add3A_5, %dma_start3A_11] : memref<32768x768xf32, #tpu.memory_space<hbm>> -> memref<32x768xf32, #tpu.memory_space<hbm>>
    %dma_start3A_13 = tpu.memref_slice %arg7[%dma_start3A_6] : memref<3x!tpu.dma_semaphore, #tpu.memory_space<semaphore_mem>> -> memref<1x!tpu.dma_semaphore, #tpu.memory_space<semaphore_mem>>
    %dma_start3A_14 = tpu.memref_squeeze %dma_start3A_13 : memref<1x!tpu.dma_semaphore, #tpu.memory_space<semaphore_mem>> -> memref<!tpu.dma_semaphore, #tpu.memory_space<semaphore_mem>>
    %dma_start3A_15 = arith.constant 0 : i32
    %dma_start3A_16 = arith.constant 0 : i32
    %dma_start3A_17 = tpu.memref_slice %arg5[%dma_start3A, %dma_start3A_15, %dma_start3A_16] : memref<3x32x768xf32, #tpu.memory_space<vmem>> -> memref<1x32x768xf32, #tpu.memory_space<vmem>>
    %dma_start3A_18 = tpu.memref_squeeze %dma_start3A_17 : memref<1x32x768xf32, #tpu.memory_space<vmem>> -> memref<32x768xf32, #tpu.memory_space<vmem>>
    %dma_start3A_19 = arith.constant 0 : i32
    %dma_start3A_20 = tpu.memref_slice %arg2[%add3A_5, %dma_start3A_19] : memref<32768x768xf32, #tpu.memory_space<hbm>> -> memref<32x768xf32, #tpu.memory_space<hbm>>
    tpu.enqueue_dma source(%dma_start3A_20 : memref<32x768xf32, #tpu.memory_space<hbm>>) target(%dma_start3A_18 : memref<32x768xf32, #tpu.memory_space<vmem>>) target_semaphore(%dma_start3A_14 : memref<!tpu.dma_semaphore, #tpu.memory_space<semaphore_mem>>)
    %add3A_21 = arith.constant 32 : i32
    %add3A_22 = arith.addi %mul3A_2, %add3A_21 : i32
    %dma_start3A_23 = arith.constant 1 : i32
    %dma_start3A_24 = arith.constant 1 : i32
    %dma_start3A_25 = arith.constant 0 : i32
    %dma_start3A_26 = arith.constant 0 : i32
    %dma_start3A_27 = tpu.memref_slice %arg5[%dma_start3A_23, %dma_start3A_25, %dma_start3A_26] : memref<3x32x768xf32, #tpu.memory_space<vmem>> -> memref<1x32x768xf32, #tpu.memory_space<vmem>>
    %dma_start3A_28 = tpu.memref_squeeze %dma_start3A_27 : memref<1x32x768xf32, #tpu.memory_space<vmem>> -> memref<32x768xf32, #tpu.memory_space<vmem>>
    %dma_start3A_29 = arith.constant 0 : i32
    %dma_start3A_30 = tpu.memref_slice %arg2[%add3A_22, %dma_start3A_29] : memref<32768x768xf32, #tpu.memory_space<hbm>> -> memref<32x768xf32, #tpu.memory_space<hbm>>
    %dma_start3A_31 = tpu.memref_slice %arg7[%dma_start3A_24] : memref<3x!tpu.dma_semaphore, #tpu.memory_space<semaphore_mem>> -> memref<1x!tpu.dma_semaphore, #tpu.memory_space<semaphore_mem>>
    %dma_start3A_32 = tpu.memref_squeeze %dma_start3A_31 : memref<1x!tpu.dma_semaphore, #tpu.memory_space<semaphore_mem>> -> memref<!tpu.dma_semaphore, #tpu.memory_space<semaphore_mem>>
    %dma_start3A_33 = arith.constant 0 : i32
    %dma_start3A_34 = arith.constant 0 : i32
    %dma_start3A_35 = tpu.memref_slice %arg5[%dma_start3A_23, %dma_start3A_33, %dma_start3A_34] : memref<3x32x768xf32, #tpu.memory_space<vmem>> -> memref<1x32x768xf32, #tpu.memory_space<vmem>>
    %dma_start3A_36 = tpu.memref_squeeze %dma_start3A_35 : memref<1x32x768xf32, #tpu.memory_space<vmem>> -> memref<32x768xf32, #tpu.memory_space<vmem>>
    %dma_start3A_37 = arith.constant 0 : i32
    %dma_start3A_38 = tpu.memref_slice %arg2[%add3A_22, %dma_start3A_37] : memref<32768x768xf32, #tpu.memory_space<hbm>> -> memref<32x768xf32, #tpu.memory_space<hbm>>
    tpu.enqueue_dma source(%dma_start3A_38 : memref<32x768xf32, #tpu.memory_space<hbm>>) target(%dma_start3A_36 : memref<32x768xf32, #tpu.memory_space<vmem>>) target_semaphore(%dma_start3A_32 : memref<!tpu.dma_semaphore, #tpu.memory_space<semaphore_mem>>)
    %add3A_39 = arith.constant 0 : i32
    %add3A_40 = arith.addi %rem3A_3, %add3A_39 : i32
    %dma_start3A_41 = arith.constant 0 : i32
    %dma_start3A_42 = arith.constant 0 : i32
    %dma_start3A_43 = arith.constant 0 : i32
    %dma_start3A_44 = arith.constant 0 : i32
    %dma_start3A_45 = tpu.memref_slice %arg6[%dma_start3A_41, %dma_start3A_43, %dma_start3A_44] : memref<2x32x768xf32, #tpu.memory_space<vmem>> -> memref<1x32x768xf32, #tpu.memory_space<vmem>>
    %dma_start3A_46 = tpu.memref_squeeze %dma_start3A_45 : memref<1x32x768xf32, #tpu.memory_space<vmem>> -> memref<32x768xf32, #tpu.memory_space<vmem>>
    %dma_start3A_47 = arith.constant 0 : i32
    %dma_start3A_48 = tpu.memref_slice %arg3[%add3A_40, %dma_start3A_47] : memref<8192x768xf32, #tpu.memory_space<hbm>> -> memref<32x768xf32, #tpu.memory_space<hbm>>
    %dma_start3A_49 = tpu.memref_slice %arg8[%dma_start3A_42] : memref<2x!tpu.dma_semaphore, #tpu.memory_space<semaphore_mem>> -> memref<1x!tpu.dma_semaphore, #tpu.memory_space<semaphore_mem>>
    %dma_start3A_50 = tpu.memref_squeeze %dma_start3A_49 : memref<1x!tpu.dma_semaphore, #tpu.memory_space<semaphore_mem>> -> memref<!tpu.dma_semaphore, #tpu.memory_space<semaphore_mem>>
    %dma_start3A_51 = arith.constant 0 : i32
    %dma_start3A_52 = arith.constant 0 : i32
    %dma_start3A_53 = tpu.memref_slice %arg6[%dma_start3A_41, %dma_start3A_51, %dma_start3A_52] : memref<2x32x768xf32, #tpu.memory_space<vmem>> -> memref<1x32x768xf32, #tpu.memory_space<vmem>>
    %dma_start3A_54 = tpu.memref_squeeze %dma_start3A_53 : memref<1x32x768xf32, #tpu.memory_space<vmem>> -> memref<32x768xf32, #tpu.memory_space<vmem>>
    %dma_start3A_55 = arith.constant 0 : i32
    %dma_start3A_56 = tpu.memref_slice %arg3[%add3A_40, %dma_start3A_55] : memref<8192x768xf32, #tpu.memory_space<hbm>> -> memref<32x768xf32, #tpu.memory_space<hbm>>
    tpu.enqueue_dma source(%dma_start3A_56 : memref<32x768xf32, #tpu.memory_space<hbm>>) target(%dma_start3A_54 : memref<32x768xf32, #tpu.memory_space<vmem>>) target_semaphore(%dma_start3A_50 : memref<!tpu.dma_semaphore, #tpu.memory_space<semaphore_mem>>)
    %add3A_57 = arith.constant 32 : i32
    %add3A_58 = arith.addi %rem3A_3, %add3A_57 : i32
    %dma_start3A_59 = arith.constant 1 : i32
    %dma_start3A_60 = arith.constant 1 : i32
    %dma_start3A_61 = arith.constant 0 : i32
    %dma_start3A_62 = arith.constant 0 : i32
    %dma_start3A_63 = tpu.memref_slice %arg6[%dma_start3A_59, %dma_start3A_61, %dma_start3A_62] : memref<2x32x768xf32, #tpu.memory_space<vmem>> -> memref<1x32x768xf32, #tpu.memory_space<vmem>>
    %dma_start3A_64 = tpu.memref_squeeze %dma_start3A_63 : memref<1x32x768xf32, #tpu.memory_space<vmem>> -> memref<32x768xf32, #tpu.memory_space<vmem>>
    %dma_start3A_65 = arith.constant 0 : i32
    %dma_start3A_66 = tpu.memref_slice %arg3[%add3A_58, %dma_start3A_65] : memref<8192x768xf32, #tpu.memory_space<hbm>> -> memref<32x768xf32, #tpu.memory_space<hbm>>
    %dma_start3A_67 = tpu.memref_slice %arg8[%dma_start3A_60] : memref<2x!tpu.dma_semaphore, #tpu.memory_space<semaphore_mem>> -> memref<1x!tpu.dma_semaphore, #tpu.memory_space<semaphore_mem>>
    %dma_start3A_68 = tpu.memref_squeeze %dma_start3A_67 : memref<1x!tpu.dma_semaphore, #tpu.memory_space<semaphore_mem>> -> memref<!tpu.dma_semaphore, #tpu.memory_space<semaphore_mem>>
    %dma_start3A_69 = arith.constant 0 : i32
    %dma_start3A_70 = arith.constant 0 : i32
    %dma_start3A_71 = tpu.memref_slice %arg6[%dma_start3A_59, %dma_start3A_69, %dma_start3A_70] : memref<2x32x768xf32, #tpu.memory_space<vmem>> -> memref<1x32x768xf32, #tpu.memory_space<vmem>>
    %dma_start3A_72 = tpu.memref_squeeze %dma_start3A_71 : memref<1x32x768xf32, #tpu.memory_space<vmem>> -> memref<32x768xf32, #tpu.memory_space<vmem>>
    %dma_start3A_73 = arith.constant 0 : i32
    %dma_start3A_74 = tpu.memref_slice %arg3[%add3A_58, %dma_start3A_73] : memref<8192x768xf32, #tpu.memory_space<hbm>> -> memref<32x768xf32, #tpu.memory_space<hbm>>
    tpu.enqueue_dma source(%dma_start3A_74 : memref<32x768xf32, #tpu.memory_space<hbm>>) target(%dma_start3A_72 : memref<32x768xf32, #tpu.memory_space<vmem>>) target_semaphore(%dma_start3A_68 : memref<!tpu.dma_semaphore, #tpu.memory_space<semaphore_mem>>)
    %scan3A = arith.constant 0 : i32
    %scan3A_75 = arith.constant 0 : i32
    %scan3A_76 = arith.constant 32 : i32
    %scan3A_77 = arith.addi %scan3A_75, %scan3A_76 : i32
    %scan3A_78 = arith.constant 1 : i32
    scf.for %scan3A_127 = %scan3A_75 to %scan3A_77 step %scan3A_78  : i32 {
      %rem3A_128 = arith.constant 3 : i32
      %rem3A_129 = arith.remsi %scan3A_127, %rem3A_128 : i32
      %rem3A_130 = arith.constant 2 : i32
      %rem3A_131 = arith.remsi %scan3A_127, %rem3A_130 : i32
      %add3A_132 = arith.constant 2 : i32
      %add3A_133 = arith.addi %scan3A_127, %add3A_132 : i32
      %lt3A = arith.constant 32 : i32
      %lt3A_134 = arith.cmpi slt, %add3A_133, %lt3A : i32
      %convert_element_type3A = arith.extui %lt3A_134 : i1 to i32
      %cond3A = arith.constant 0 : i32
      %cond3A_135 = arith.cmpi ne, %convert_element_type3A, %cond3A : i32
      scf.if %cond3A_135 {
        %add3A_188 = arith.constant 2 : i32
        %add3A_189 = arith.addi %scan3A_127, %add3A_188 : i32
        %rem3A_190 = arith.constant 3 : i32
        %rem3A_191 = arith.remsi %add3A_189, %rem3A_190 : i32
        %ge3A = arith.constant 1 : i32
        %ge3A_192 = arith.cmpi sge, %scan3A_127, %ge3A : i32
        %convert_element_type3A_193 = arith.extui %ge3A_192 : i1 to i32
        %cond3A_194 = arith.constant 0 : i32
        %cond3A_195 = arith.cmpi ne, %convert_element_type3A_193, %cond3A_194 : i32
        scf.if %cond3A_195 {
          %dma_wait3A_215 = arith.constant 0 : i32
          %dma_wait3A_216 = arith.constant 0 : i32
          %dma_wait3A_217 = tpu.memref_slice %arg5[%rem3A_191, %dma_wait3A_215, %dma_wait3A_216] : memref<3x32x768xf32, #tpu.memory_space<vmem>> -> memref<1x32x768xf32, #tpu.memory_space<vmem>>
          %dma_wait3A_218 = tpu.memref_squeeze %dma_wait3A_217 : memref<1x32x768xf32, #tpu.memory_space<vmem>> -> memref<32x768xf32, #tpu.memory_space<vmem>>
          %dma_wait3A_219 = arith.constant 0 : i32
          %dma_wait3A_220 = tpu.memref_slice %arg4[%mul3A_2, %dma_wait3A_219] : memref<32768x768xf32, #tpu.memory_space<hbm>> -> memref<32x768xf32, #tpu.memory_space<hbm>>
          %dma_wait3A_221 = tpu.memref_slice %arg9[%rem3A_191] : memref<3x!tpu.dma_semaphore, #tpu.memory_space<semaphore_mem>> -> memref<1x!tpu.dma_semaphore, #tpu.memory_space<semaphore_mem>>
          %dma_wait3A_222 = tpu.memref_squeeze %dma_wait3A_221 : memref<1x!tpu.dma_semaphore, #tpu.memory_space<semaphore_mem>> -> memref<!tpu.dma_semaphore, #tpu.memory_space<semaphore_mem>>
          %dma_wait3A_223 = arith.constant 0 : i32
          %dma_wait3A_224 = tpu.memref_slice %arg4[%mul3A_2, %dma_wait3A_223] : memref<32768x768xf32, #tpu.memory_space<hbm>> -> memref<32x768xf32, #tpu.memory_space<hbm>>
          %dma_wait3A_225 = arith.constant 0 : i32
          %dma_wait3A_226 = arith.constant 0 : i32
          %dma_wait3A_227 = tpu.memref_slice %arg5[%rem3A_191, %dma_wait3A_225, %dma_wait3A_226] : memref<3x32x768xf32, #tpu.memory_space<vmem>> -> memref<1x32x768xf32, #tpu.memory_space<vmem>>
          %dma_wait3A_228 = tpu.memref_squeeze %dma_wait3A_227 : memref<1x32x768xf32, #tpu.memory_space<vmem>> -> memref<32x768xf32, #tpu.memory_space<vmem>>
          tpu.wait_dma2 semaphore(%dma_wait3A_222 : memref<!tpu.dma_semaphore, #tpu.memory_space<semaphore_mem>>) src(%dma_wait3A_228 : memref<32x768xf32, #tpu.memory_space<vmem>>) dst(%dma_wait3A_224 : memref<32x768xf32, #tpu.memory_space<hbm>>)
        } else {
        }
        %add3A_196 = arith.constant 2 : i32
        %add3A_197 = arith.addi %scan3A_127, %add3A_196 : i32
        %mul3A_198 = arith.constant 32 : i32
        %mul3A_199 = arith.muli %add3A_197, %mul3A_198 : i32
        %add3A_200 = arith.addi %mul3A_2, %mul3A_199 : i32
        %dma_start3A_201 = arith.constant 0 : i32
        %dma_start3A_202 = arith.constant 0 : i32
        %dma_start3A_203 = tpu.memref_slice %arg5[%rem3A_191, %dma_start3A_201, %dma_start3A_202] : memref<3x32x768xf32, #tpu.memory_space<vmem>> -> memref<1x32x768xf32, #tpu.memory_space<vmem>>
        %dma_start3A_204 = tpu.memref_squeeze %dma_start3A_203 : memref<1x32x768xf32, #tpu.memory_space<vmem>> -> memref<32x768xf32, #tpu.memory_space<vmem>>
        %dma_start3A_205 = arith.constant 0 : i32
        %dma_start3A_206 = tpu.memref_slice %arg2[%add3A_200, %dma_start3A_205] : memref<32768x768xf32, #tpu.memory_space<hbm>> -> memref<32x768xf32, #tpu.memory_space<hbm>>
        %dma_start3A_207 = tpu.memref_slice %arg7[%rem3A_191] : memref<3x!tpu.dma_semaphore, #tpu.memory_space<semaphore_mem>> -> memref<1x!tpu.dma_semaphore, #tpu.memory_space<semaphore_mem>>
        %dma_start3A_208 = tpu.memref_squeeze %dma_start3A_207 : memref<1x!tpu.dma_semaphore, #tpu.memory_space<semaphore_mem>> -> memref<!tpu.dma_semaphore, #tpu.memory_space<semaphore_mem>>
        %dma_start3A_209 = arith.constant 0 : i32
        %dma_start3A_210 = arith.constant 0 : i32
        %dma_start3A_211 = tpu.memref_slice %arg5[%rem3A_191, %dma_start3A_209, %dma_start3A_210] : memref<3x32x768xf32, #tpu.memory_space<vmem>> -> memref<1x32x768xf32, #tpu.memory_space<vmem>>
        %dma_start3A_212 = tpu.memref_squeeze %dma_start3A_211 : memref<1x32x768xf32, #tpu.memory_space<vmem>> -> memref<32x768xf32, #tpu.memory_space<vmem>>
        %dma_start3A_213 = arith.constant 0 : i32
        %dma_start3A_214 = tpu.memref_slice %arg2[%add3A_200, %dma_start3A_213] : memref<32768x768xf32, #tpu.memory_space<hbm>> -> memref<32x768xf32, #tpu.memory_space<hbm>>
        tpu.enqueue_dma source(%dma_start3A_214 : memref<32x768xf32, #tpu.memory_space<hbm>>) target(%dma_start3A_212 : memref<32x768xf32, #tpu.memory_space<vmem>>) target_semaphore(%dma_start3A_208 : memref<!tpu.dma_semaphore, #tpu.memory_space<semaphore_mem>>)
      } else {
      }
      %add3A_136 = arith.constant 1 : i32
      %add3A_137 = arith.addi %scan3A_127, %add3A_136 : i32
      %lt3A_138 = arith.constant 32 : i32
      %lt3A_139 = arith.cmpi slt, %add3A_137, %lt3A_138 : i32
      %convert_element_type3A_140 = arith.extui %lt3A_139 : i1 to i32
      %cond3A_141 = arith.constant 0 : i32
      %cond3A_142 = arith.cmpi ne, %convert_element_type3A_140, %cond3A_141 : i32
      scf.if %cond3A_142 {
        %add3A_188 = arith.constant 1 : i32
        %add3A_189 = arith.addi %scan3A_127, %add3A_188 : i32
        %add3A_190 = arith.constant 1 : i32
        %add3A_191 = arith.addi %scan3A_127, %add3A_190 : i32
        %rem3A_192 = arith.constant 2 : i32
        %rem3A_193 = arith.remsi %add3A_191, %rem3A_192 : i32
        %mul3A_194 = arith.constant 32 : i32
        %mul3A_195 = arith.muli %add3A_189, %mul3A_194 : i32
        %add3A_196 = arith.addi %rem3A_3, %mul3A_195 : i32
        %dma_start3A_197 = arith.constant 0 : i32
        %dma_start3A_198 = arith.constant 0 : i32
        %dma_start3A_199 = tpu.memref_slice %arg6[%rem3A_193, %dma_start3A_197, %dma_start3A_198] : memref<2x32x768xf32, #tpu.memory_space<vmem>> -> memref<1x32x768xf32, #tpu.memory_space<vmem>>
        %dma_start3A_200 = tpu.memref_squeeze %dma_start3A_199 : memref<1x32x768xf32, #tpu.memory_space<vmem>> -> memref<32x768xf32, #tpu.memory_space<vmem>>
        %dma_start3A_201 = arith.constant 0 : i32
        %dma_start3A_202 = tpu.memref_slice %arg3[%add3A_196, %dma_start3A_201] : memref<8192x768xf32, #tpu.memory_space<hbm>> -> memref<32x768xf32, #tpu.memory_space<hbm>>
        %dma_start3A_203 = tpu.memref_slice %arg8[%rem3A_193] : memref<2x!tpu.dma_semaphore, #tpu.memory_space<semaphore_mem>> -> memref<1x!tpu.dma_semaphore, #tpu.memory_space<semaphore_mem>>
        %dma_start3A_204 = tpu.memref_squeeze %dma_start3A_203 : memref<1x!tpu.dma_semaphore, #tpu.memory_space<semaphore_mem>> -> memref<!tpu.dma_semaphore, #tpu.memory_space<semaphore_mem>>
        %dma_start3A_205 = arith.constant 0 : i32
        %dma_start3A_206 = arith.constant 0 : i32
        %dma_start3A_207 = tpu.memref_slice %arg6[%rem3A_193, %dma_start3A_205, %dma_start3A_206] : memref<2x32x768xf32, #tpu.memory_space<vmem>> -> memref<1x32x768xf32, #tpu.memory_space<vmem>>
        %dma_start3A_208 = tpu.memref_squeeze %dma_start3A_207 : memref<1x32x768xf32, #tpu.memory_space<vmem>> -> memref<32x768xf32, #tpu.memory_space<vmem>>
        %dma_start3A_209 = arith.constant 0 : i32
        %dma_start3A_210 = tpu.memref_slice %arg3[%add3A_196, %dma_start3A_209] : memref<8192x768xf32, #tpu.memory_space<hbm>> -> memref<32x768xf32, #tpu.memory_space<hbm>>
        tpu.enqueue_dma source(%dma_start3A_210 : memref<32x768xf32, #tpu.memory_space<hbm>>) target(%dma_start3A_208 : memref<32x768xf32, #tpu.memory_space<vmem>>) target_semaphore(%dma_start3A_204 : memref<!tpu.dma_semaphore, #tpu.memory_space<semaphore_mem>>)
      } else {
      }
      %dma_wait3A_143 = arith.constant 0 : i32
      %dma_wait3A_144 = arith.constant 0 : i32
      %dma_wait3A_145 = tpu.memref_slice %arg5[%rem3A_129, %dma_wait3A_143, %dma_wait3A_144] : memref<3x32x768xf32, #tpu.memory_space<vmem>> -> memref<1x32x768xf32, #tpu.memory_space<vmem>>
      %dma_wait3A_146 = tpu.memref_squeeze %dma_wait3A_145 : memref<1x32x768xf32, #tpu.memory_space<vmem>> -> memref<32x768xf32, #tpu.memory_space<vmem>>
      %dma_wait3A_147 = arith.constant 0 : i32
      %dma_wait3A_148 = tpu.memref_slice %arg2[%mul3A_2, %dma_wait3A_147] : memref<32768x768xf32, #tpu.memory_space<hbm>> -> memref<32x768xf32, #tpu.memory_space<hbm>>
      %dma_wait3A_149 = tpu.memref_slice %arg7[%rem3A_129] : memref<3x!tpu.dma_semaphore, #tpu.memory_space<semaphore_mem>> -> memref<1x!tpu.dma_semaphore, #tpu.memory_space<semaphore_mem>>
      %dma_wait3A_150 = tpu.memref_squeeze %dma_wait3A_149 : memref<1x!tpu.dma_semaphore, #tpu.memory_space<semaphore_mem>> -> memref<!tpu.dma_semaphore, #tpu.memory_space<semaphore_mem>>
      %dma_wait3A_151 = arith.constant 0 : i32
      %dma_wait3A_152 = arith.constant 0 : i32
      %dma_wait3A_153 = tpu.memref_slice %arg5[%rem3A_129, %dma_wait3A_151, %dma_wait3A_152] : memref<3x32x768xf32, #tpu.memory_space<vmem>> -> memref<1x32x768xf32, #tpu.memory_space<vmem>>
      %dma_wait3A_154 = tpu.memref_squeeze %dma_wait3A_153 : memref<1x32x768xf32, #tpu.memory_space<vmem>> -> memref<32x768xf32, #tpu.memory_space<vmem>>
      %dma_wait3A_155 = arith.constant 0 : i32
      %dma_wait3A_156 = tpu.memref_slice %arg2[%mul3A_2, %dma_wait3A_155] : memref<32768x768xf32, #tpu.memory_space<hbm>> -> memref<32x768xf32, #tpu.memory_space<hbm>>
      tpu.wait_dma2 semaphore(%dma_wait3A_150 : memref<!tpu.dma_semaphore, #tpu.memory_space<semaphore_mem>>) src(%dma_wait3A_156 : memref<32x768xf32, #tpu.memory_space<hbm>>) dst(%dma_wait3A_154 : memref<32x768xf32, #tpu.memory_space<vmem>>)
      %dma_wait3A_157 = arith.constant 0 : i32
      %dma_wait3A_158 = arith.constant 0 : i32
      %dma_wait3A_159 = tpu.memref_slice %arg6[%rem3A_131, %dma_wait3A_157, %dma_wait3A_158] : memref<2x32x768xf32, #tpu.memory_space<vmem>> -> memref<1x32x768xf32, #tpu.memory_space<vmem>>
      %dma_wait3A_160 = tpu.memref_squeeze %dma_wait3A_159 : memref<1x32x768xf32, #tpu.memory_space<vmem>> -> memref<32x768xf32, #tpu.memory_space<vmem>>
      %dma_wait3A_161 = arith.constant 0 : i32
      %dma_wait3A_162 = tpu.memref_slice %arg3[%rem3A_3, %dma_wait3A_161] : memref<8192x768xf32, #tpu.memory_space<hbm>> -> memref<32x768xf32, #tpu.memory_space<hbm>>
      %dma_wait3A_163 = tpu.memref_slice %arg8[%rem3A_131] : memref<2x!tpu.dma_semaphore, #tpu.memory_space<semaphore_mem>> -> memref<1x!tpu.dma_semaphore, #tpu.memory_space<semaphore_mem>>
      %dma_wait3A_164 = tpu.memref_squeeze %dma_wait3A_163 : memref<1x!tpu.dma_semaphore, #tpu.memory_space<semaphore_mem>> -> memref<!tpu.dma_semaphore, #tpu.memory_space<semaphore_mem>>
      %dma_wait3A_165 = arith.constant 0 : i32
      %dma_wait3A_166 = arith.constant 0 : i32
      %dma_wait3A_167 = tpu.memref_slice %arg6[%rem3A_131, %dma_wait3A_165, %dma_wait3A_166] : memref<2x32x768xf32, #tpu.memory_space<vmem>> -> memref<1x32x768xf32, #tpu.memory_space<vmem>>
      %dma_wait3A_168 = tpu.memref_squeeze %dma_wait3A_167 : memref<1x32x768xf32, #tpu.memory_space<vmem>> -> memref<32x768xf32, #tpu.memory_space<vmem>>
      %dma_wait3A_169 = arith.constant 0 : i32
      %dma_wait3A_170 = tpu.memref_slice %arg3[%rem3A_3, %dma_wait3A_169] : memref<8192x768xf32, #tpu.memory_space<hbm>> -> memref<32x768xf32, #tpu.memory_space<hbm>>
      tpu.wait_dma2 semaphore(%dma_wait3A_164 : memref<!tpu.dma_semaphore, #tpu.memory_space<semaphore_mem>>) src(%dma_wait3A_170 : memref<32x768xf32, #tpu.memory_space<hbm>>) dst(%dma_wait3A_168 : memref<32x768xf32, #tpu.memory_space<vmem>>)
      %mul3A_171 = arith.constant 32 : i32
      %mul3A_172 = arith.muli %scan3A_127, %mul3A_171 : i32
      %add3A_173 = arith.addi %mul3A_2, %mul3A_172 : i32
      %dma_start3A_174 = arith.constant 0 : i32
      %dma_start3A_175 = arith.constant 0 : i32
      %dma_start3A_176 = tpu.memref_slice %arg5[%rem3A_129, %dma_start3A_174, %dma_start3A_175] : memref<3x32x768xf32, #tpu.memory_space<vmem>> -> memref<1x32x768xf32, #tpu.memory_space<vmem>>
      %dma_start3A_177 = tpu.memref_squeeze %dma_start3A_176 : memref<1x32x768xf32, #tpu.memory_space<vmem>> -> memref<32x768xf32, #tpu.memory_space<vmem>>
      %dma_start3A_178 = arith.constant 0 : i32
      %dma_start3A_179 = tpu.memref_slice %arg4[%add3A_173, %dma_start3A_178] : memref<32768x768xf32, #tpu.memory_space<hbm>> -> memref<32x768xf32, #tpu.memory_space<hbm>>
      %dma_start3A_180 = tpu.memref_slice %arg9[%rem3A_129] : memref<3x!tpu.dma_semaphore, #tpu.memory_space<semaphore_mem>> -> memref<1x!tpu.dma_semaphore, #tpu.memory_space<semaphore_mem>>
      %dma_start3A_181 = tpu.memref_squeeze %dma_start3A_180 : memref<1x!tpu.dma_semaphore, #tpu.memory_space<semaphore_mem>> -> memref<!tpu.dma_semaphore, #tpu.memory_space<semaphore_mem>>
      %dma_start3A_182 = arith.constant 0 : i32
      %dma_start3A_183 = tpu.memref_slice %arg4[%add3A_173, %dma_start3A_182] : memref<32768x768xf32, #tpu.memory_space<hbm>> -> memref<32x768xf32, #tpu.memory_space<hbm>>
      %dma_start3A_184 = arith.constant 0 : i32
      %dma_start3A_185 = arith.constant 0 : i32
      %dma_start3A_186 = tpu.memref_slice %arg5[%rem3A_129, %dma_start3A_184, %dma_start3A_185] : memref<3x32x768xf32, #tpu.memory_space<vmem>> -> memref<1x32x768xf32, #tpu.memory_space<vmem>>
      %dma_start3A_187 = tpu.memref_squeeze %dma_start3A_186 : memref<1x32x768xf32, #tpu.memory_space<vmem>> -> memref<32x768xf32, #tpu.memory_space<vmem>>
      tpu.enqueue_dma source(%dma_start3A_187 : memref<32x768xf32, #tpu.memory_space<vmem>>) target(%dma_start3A_183 : memref<32x768xf32, #tpu.memory_space<hbm>>) target_semaphore(%dma_start3A_181 : memref<!tpu.dma_semaphore, #tpu.memory_space<semaphore_mem>>)
    }
    %scan3A_79 = arith.constant 32 : i32
    %dma_wait3A = arith.constant 0 : i32
    %dma_wait3A_80 = arith.constant 0 : i32
    %dma_wait3A_81 = arith.constant 0 : i32
    %dma_wait3A_82 = arith.constant 0 : i32
    %dma_wait3A_83 = tpu.memref_slice %arg5[%dma_wait3A, %dma_wait3A_81, %dma_wait3A_82] : memref<3x32x768xf32, #tpu.memory_space<vmem>> -> memref<1x32x768xf32, #tpu.memory_space<vmem>>
    %dma_wait3A_84 = tpu.memref_squeeze %dma_wait3A_83 : memref<1x32x768xf32, #tpu.memory_space<vmem>> -> memref<32x768xf32, #tpu.memory_space<vmem>>
    %dma_wait3A_85 = arith.constant 0 : i32
    %dma_wait3A_86 = tpu.memref_slice %arg4[%mul3A_2, %dma_wait3A_85] : memref<32768x768xf32, #tpu.memory_space<hbm>> -> memref<32x768xf32, #tpu.memory_space<hbm>>
    %dma_wait3A_87 = tpu.memref_slice %arg9[%dma_wait3A_80] : memref<3x!tpu.dma_semaphore, #tpu.memory_space<semaphore_mem>> -> memref<1x!tpu.dma_semaphore, #tpu.memory_space<semaphore_mem>>
    %dma_wait3A_88 = tpu.memref_squeeze %dma_wait3A_87 : memref<1x!tpu.dma_semaphore, #tpu.memory_space<semaphore_mem>> -> memref<!tpu.dma_semaphore, #tpu.memory_space<semaphore_mem>>
    %dma_wait3A_89 = arith.constant 0 : i32
    %dma_wait3A_90 = tpu.memref_slice %arg4[%mul3A_2, %dma_wait3A_89] : memref<32768x768xf32, #tpu.memory_space<hbm>> -> memref<32x768xf32, #tpu.memory_space<hbm>>
    %dma_wait3A_91 = arith.constant 0 : i32
    %dma_wait3A_92 = arith.constant 0 : i32
    %dma_wait3A_93 = tpu.memref_slice %arg5[%dma_wait3A, %dma_wait3A_91, %dma_wait3A_92] : memref<3x32x768xf32, #tpu.memory_space<vmem>> -> memref<1x32x768xf32, #tpu.memory_space<vmem>>
    %dma_wait3A_94 = tpu.memref_squeeze %dma_wait3A_93 : memref<1x32x768xf32, #tpu.memory_space<vmem>> -> memref<32x768xf32, #tpu.memory_space<vmem>>
    tpu.wait_dma2 semaphore(%dma_wait3A_88 : memref<!tpu.dma_semaphore, #tpu.memory_space<semaphore_mem>>) src(%dma_wait3A_94 : memref<32x768xf32, #tpu.memory_space<vmem>>) dst(%dma_wait3A_90 : memref<32x768xf32, #tpu.memory_space<hbm>>)
    %dma_wait3A_95 = arith.constant 1 : i32
    %dma_wait3A_96 = arith.constant 1 : i32
    %dma_wait3A_97 = arith.constant 0 : i32
    %dma_wait3A_98 = arith.constant 0 : i32
    %dma_wait3A_99 = tpu.memref_slice %arg5[%dma_wait3A_95, %dma_wait3A_97, %dma_wait3A_98] : memref<3x32x768xf32, #tpu.memory_space<vmem>> -> memref<1x32x768xf32, #tpu.memory_space<vmem>>
    %dma_wait3A_100 = tpu.memref_squeeze %dma_wait3A_99 : memref<1x32x768xf32, #tpu.memory_space<vmem>> -> memref<32x768xf32, #tpu.memory_space<vmem>>
    %dma_wait3A_101 = arith.constant 0 : i32
    %dma_wait3A_102 = tpu.memref_slice %arg4[%mul3A_2, %dma_wait3A_101] : memref<32768x768xf32, #tpu.memory_space<hbm>> -> memref<32x768xf32, #tpu.memory_space<hbm>>
    %dma_wait3A_103 = tpu.memref_slice %arg9[%dma_wait3A_96] : memref<3x!tpu.dma_semaphore, #tpu.memory_space<semaphore_mem>> -> memref<1x!tpu.dma_semaphore, #tpu.memory_space<semaphore_mem>>
    %dma_wait3A_104 = tpu.memref_squeeze %dma_wait3A_103 : memref<1x!tpu.dma_semaphore, #tpu.memory_space<semaphore_mem>> -> memref<!tpu.dma_semaphore, #tpu.memory_space<semaphore_mem>>
    %dma_wait3A_105 = arith.constant 0 : i32
    %dma_wait3A_106 = tpu.memref_slice %arg4[%mul3A_2, %dma_wait3A_105] : memref<32768x768xf32, #tpu.memory_space<hbm>> -> memref<32x768xf32, #tpu.memory_space<hbm>>
    %dma_wait3A_107 = arith.constant 0 : i32
    %dma_wait3A_108 = arith.constant 0 : i32
    %dma_wait3A_109 = tpu.memref_slice %arg5[%dma_wait3A_95, %dma_wait3A_107, %dma_wait3A_108] : memref<3x32x768xf32, #tpu.memory_space<vmem>> -> memref<1x32x768xf32, #tpu.memory_space<vmem>>
    %dma_wait3A_110 = tpu.memref_squeeze %dma_wait3A_109 : memref<1x32x768xf32, #tpu.memory_space<vmem>> -> memref<32x768xf32, #tpu.memory_space<vmem>>
    tpu.wait_dma2 semaphore(%dma_wait3A_104 : memref<!tpu.dma_semaphore, #tpu.memory_space<semaphore_mem>>) src(%dma_wait3A_110 : memref<32x768xf32, #tpu.memory_space<vmem>>) dst(%dma_wait3A_106 : memref<32x768xf32, #tpu.memory_space<hbm>>)
    %dma_wait3A_111 = arith.constant 2 : i32
    %dma_wait3A_112 = arith.constant 2 : i32
    %dma_wait3A_113 = arith.constant 0 : i32
    %dma_wait3A_114 = arith.constant 0 : i32
    %dma_wait3A_115 = tpu.memref_slice %arg5[%dma_wait3A_111, %dma_wait3A_113, %dma_wait3A_114] : memref<3x32x768xf32, #tpu.memory_space<vmem>> -> memref<1x32x768xf32, #tpu.memory_space<vmem>>
    %dma_wait3A_116 = tpu.memref_squeeze %dma_wait3A_115 : memref<1x32x768xf32, #tpu.memory_space<vmem>> -> memref<32x768xf32, #tpu.memory_space<vmem>>
    %dma_wait3A_117 = arith.constant 0 : i32
    %dma_wait3A_118 = tpu.memref_slice %arg4[%mul3A_2, %dma_wait3A_117] : memref<32768x768xf32, #tpu.memory_space<hbm>> -> memref<32x768xf32, #tpu.memory_space<hbm>>
    %dma_wait3A_119 = tpu.memref_slice %arg9[%dma_wait3A_112] : memref<3x!tpu.dma_semaphore, #tpu.memory_space<semaphore_mem>> -> memref<1x!tpu.dma_semaphore, #tpu.memory_space<semaphore_mem>>
    %dma_wait3A_120 = tpu.memref_squeeze %dma_wait3A_119 : memref<1x!tpu.dma_semaphore, #tpu.memory_space<semaphore_mem>> -> memref<!tpu.dma_semaphore, #tpu.memory_space<semaphore_mem>>
    %dma_wait3A_121 = arith.constant 0 : i32
    %dma_wait3A_122 = tpu.memref_slice %arg4[%mul3A_2, %dma_wait3A_121] : memref<32768x768xf32, #tpu.memory_space<hbm>> -> memref<32x768xf32, #tpu.memory_space<hbm>>
    %dma_wait3A_123 = arith.constant 0 : i32
    %dma_wait3A_124 = arith.constant 0 : i32
    %dma_wait3A_125 = tpu.memref_slice %arg5[%dma_wait3A_111, %dma_wait3A_123, %dma_wait3A_124] : memref<3x32x768xf32, #tpu.memory_space<vmem>> -> memref<1x32x768xf32, #tpu.memory_space<vmem>>
    %dma_wait3A_126 = tpu.memref_squeeze %dma_wait3A_125 : memref<1x32x768xf32, #tpu.memory_space<vmem>> -> memref<32x768xf32, #tpu.memory_space<vmem>>
    tpu.wait_dma2 semaphore(%dma_wait3A_120 : memref<!tpu.dma_semaphore, #tpu.memory_space<semaphore_mem>>) src(%dma_wait3A_126 : memref<32x768xf32, #tpu.memory_space<vmem>>) dst(%dma_wait3A_122 : memref<32x768xf32, #tpu.memory_space<hbm>>)
    return
  }
}

</mosaic_0001>

<sc_bundles>
// kernel: kernel.3.cloned.1.call-start
scs
__scs_entry_jumppad:
0x0: {  	(pc) =	sbr.rel $0x88, $3  }
0x1: {  	(tag) =	ssettag $0x0;
	lr =	simm.s32 $0x1  }
0x2: {  	[smem:$0x3F9F] =	sst lr;
	_ =	strace $0xD0000000  }
0x3: {  	_ = 	snop  }
0x4: {  	_ = 	snop  }
0x5: {  	_ = 	snop  }
0x6: {  	_ = 	snop  }
0x7: {  	_ = 	snop  }
__scs_overlays_trampoline_lowered:
0x8: {  	[smem:$0x3FAE] =	sst s0  }
0x9: {  	[smem:$0x3FAF] =	sst s1  }
0xa: {  	[smem:$0x3FB0] =	sst s2  }
0xb: {  	[smem:$0x3FB1] =	sst s3  }
0xc: {  	[smem:$0x3FB2] =	sst s4  }
0xd: {  	[smem:$0x3FB3] =	sst s5  }
0xe: {  	[smem:$0x3FB4] =	sst s6  }
0xf: {  	[smem:$0x3FB5] =	sst s7  }
0x10: {  	[smem:$0x3FB6] =	sst s8  }
0x11: {  	[smem:$0x3FB7] =	sst s9;
	s0 =	simm.s32 @!p0 $0x0  }
0x12: {  	s1 =	sld [smem:$0x3F9D];
	s0 =	simm.s32 @p0 $0x1  }
0x13: {  	[smem:$0x3FB8] =	sst s0;
	s0 =	simm.s32 @!p1 $0x0  }
0x14: {  	s2 =	sld [smem:$0x3F9C];
	s0 =	simm.s32 @p1 $0x1  }
0x15: {  	[smem:$0x3FB9] =	sst s0;
	s0 =	simm.s32 @!p2 $0x0  }
0x16: {  	s3 =	sld [smem:$0x3FDB];
	s0 =	simm.s32 @p2 $0x1  }
0x17: {  	s4 =	simm.s32 $0x1BF5;
	[smem:$0x3FBB] =	sst s0  }
0x18: {  	s0 =	sld [smem:$0x3F9E];
	_ =	swait.ge [sflag:s4], $0x0  }
0x19: {  	s7 =	sld [smem:$0x3F9F]  }
0x1a: {  	s8 =	sadd.s32 $0xFFFFE003, lr  }
0x1b: {  	s9 =	sadd.s32 $0xFFFFFEF7, lr;
	s5 =	simm.s32 $0xFFFFFFFF;
	p2 =	slt.u32 s8, $0xFFFFF086  }
0x1c: {  	p1 =	slt.u32 s9, $0xF7A;
	s5 =	simm.s32 @!p2 $0x0  }
0x1d: {  	s5 =	simm.s32 @p1 $0x1;
	p0 =	seq.s32 s7, s2  }
0x1e: {  	s7 =	smul.u32 @!p0 $0xF7A, s2;
	p2 =	seq.s32 @!p0 s5, $0x0  }
0x1f: {  	s9 =	smul.u32 $0xF7A, s1;
	s8 =	simm.s32 @!p0 $0x1BF5;
	p2 =	por !p2, p0  }
0x20: {  	[sflag:s8] =	ssyncset.s32 @!p0 $0xFFFFF086;
	s6 =	sadd.s32 @!p0 s3, s7;
	s7 =	simm.s32 @!p0 $0x108  }
0x21: {  	s3 =	sadd.s32 s3, s9;
	s6 =	sadd.s32 @!p0 $0x88, s6;
	s7 =	simm.s32 @p2 $0x1082  }
0x22: {  	[simem:s7], [sflag:s8] =	dma.local @!p0 [hbm:s6], $0xF7A  }
0x23: {  	s9 =	sor.u32 $0xD0000000, s2;
	s6 =	simm.s32 $0x108;
	_ =	swait.ge @!p0 [sflag:s8], $0x0  }
0x24: {  	s3 =	sadd.s32 $0x88, s3;
	s6 =	simm.s32 @!p1 $0x1082;
	[sflag:s4] =	ssyncset.s32 $0xFFFFF086  }
0x25: {  	[simem:s6], [sflag:s4] =	dma.local [hbm:s3], $0xF7A  }
0x26: {  	[smem:$0x3F9F] =	sst s1;
	(tag) =	ssettag s2;
	_ =	strace s9  }
0x27: {  	s1 =	sld [smem:$0x3FAF]  }
0x28: {  	s2 =	sld [smem:$0x3FB0]  }
0x29: {  	s4 =	sld [smem:$0x3FB2]  }
0x2a: {  	p0 =	seq.s32 s5, $0x0;
	s5 =	sld [smem:$0x3FB3]  }
0x2b: {  	s6 =	sld [smem:$0x3FB4]  }
0x2c: {  	s7 =	sld [smem:$0x3FB5]  }
0x2d: {  	s3 =	simm.s32 $0x108;
	s8 =	sld [smem:$0x3FB6]  }
0x2e: {  	s3 =	simm.s32 @!p0 $0x1082;
	s9 =	sld [smem:$0x3FB7]  }
0x2f: {  	lr =	sadd.s32 s0, s3;
	s0 =	sld [smem:$0x3FAE]  }
0x30: {  	s3 =	sld [smem:$0x3FB1]  }
0x31: {  	[smem:$0x3FBA] =	sst s10  }
0x32: {  	s10 =	sld [smem:$0x3FB8];
	_ =	sdelay $0x3  }
0x33: {  	p0 =	seq.s32 s10, $0x1;
	s10 =	sld [smem:$0x3FBA];
	_ =	sdelay $0x3  }
0x34: {  	[smem:$0x3FBA] =	sst s10  }
0x35: {  	s10 =	sld [smem:$0x3FB9];
	_ =	sdelay $0x3  }
0x36: {  	p1 =	seq.s32 s10, $0x1;
	s10 =	sld [smem:$0x3FBA];
	_ =	sdelay $0x3  }
0x37: {  	[smem:$0x3FBA] =	sst s10  }
0x38: {  	s10 =	sld [smem:$0x3FBB]  }
0x39: {  	_ = 	snop;
	(pc) =	sbr.ind lr, $3  }
0x3a: {  	_ = 	snop  }
0x3b: {  	_ = 	snop  }
0x3c: {  	p2 =	seq.s32 s10, $0x1;
	s10 =	sld [smem:$0x3FBA]  }
0x3d: {  	_ =	shalt  }
0x3e: {  	_ =	shalt  }
0x3f: {  	_ =	shalt  }
0x40: {  	_ =	shalt  }
0x41: {  	_ =	shalt  }
0x42: {  	_ =	shalt  }
0x43: {  	_ =	shalt  }
0x44: {  	_ =	shalt  }
0x45: {  	_ =	shalt  }
0x46: {  	_ =	shalt  }
0x47: {  	_ =	shalt  }
0x48: {  	_ =	shalt  }
0x49: {  	_ =	shalt  }
0x4a: {  	_ =	shalt  }
0x4b: {  	_ =	shalt  }
0x4c: {  	_ =	shalt  }
0x4d: {  	_ =	shalt  }
0x4e: {  	_ =	shalt  }
0x4f: {  	_ =	shalt  }
0x50: {  	_ =	shalt  }
0x51: {  	_ =	shalt  }
0x52: {  	_ =	shalt  }
0x53: {  	_ =	shalt  }
0x54: {  	_ =	shalt  }
0x55: {  	_ =	shalt  }
0x56: {  	_ =	shalt  }
0x57: {  	_ =	shalt  }
0x58: {  	_ =	shalt  }
0x59: {  	_ =	shalt  }
0x5a: {  	_ =	shalt  }
0x5b: {  	_ =	shalt  }
0x5c: {  	_ =	shalt  }
0x5d: {  	_ =	shalt  }
0x5e: {  	_ =	shalt  }
0x5f: {  	_ =	shalt  }
0x60: {  	_ =	shalt  }
0x61: {  	_ =	shalt  }
0x62: {  	_ =	shalt  }
0x63: {  	_ =	shalt  }
0x64: {  	_ =	shalt  }
0x65: {  	_ =	shalt  }
0x66: {  	_ =	shalt  }
0x67: {  	_ =	shalt  }
0x68: {  	_ =	shalt  }
0x69: {  	_ =	shalt  }
0x6a: {  	_ =	shalt  }
0x6b: {  	_ =	shalt  }
0x6c: {  	_ =	shalt  }
0x6d: {  	_ =	shalt  }
0x6e: {  	_ =	shalt  }
0x6f: {  	_ =	shalt  }
0x70: {  	_ =	shalt  }
0x71: {  	_ =	shalt  }
0x72: {  	_ =	shalt  }
0x73: {  	_ =	shalt  }
0x74: {  	_ =	shalt  }
0x75: {  	_ =	shalt  }
0x76: {  	_ =	shalt  }
0x77: {  	_ =	shalt  }
0x78: {  	_ =	shalt  }
0x79: {  	_ =	shalt  }
0x7a: {  	_ =	shalt  }
0x7b: {  	_ =	shalt  }
0x7c: {  	_ =	shalt  }
0x7d: {  	_ =	shalt  }
0x7e: {  	_ =	shalt  }
0x7f: {  	_ =	shalt  }
0x80: {  	_ =	shalt  }
0x81: {  	_ =	shalt  }
0x82: {  	_ =	shalt  }
0x83: {  	_ =	shalt  }
0x84: {  	_ =	shalt  }
0x85: {  	_ =	shalt  }
0x86: {  	_ =	shalt  }
0x87: {  	_ =	shalt  }
.Lfunc_end0:
.L_simem_size_0:
called_computation_lowered:
.L_overlay_start_0:
0x88: {  	s2 =	sld [smem:$0x3FD9]  }
0x89: {  	s3 =	sld [smem:$0x3FFE];
	_ =	sdelay $0x1  }
0x8a: {  	s1 =	srdreg.scid  }
0x8b: {  	s0 =	sand.u32 $0x1, s1  }
0x8c: {  	s18 =	sshll.u32 s0, $0xA;
	s2 =	sadd.s32 s3, s2  }
0x8d: {  	s2 =	sadd.s32 s2, s18  }
0x8e: {  	[smem:$0x3FC6] =	sst s2  }
0x8f: {  	_ = 	snop  }
0x90: {  	s2 =	sld [smem:$0x3FC9]  }
0x91: {  	s19 =	sld [smem:$0x3FC8]  }
0x92: {  	s4 =	sld [smem:$0x3FD0];
	(tm) =	ssettm $0x1  }
0x93: {  	s5 =	sld [smem:$0x3FFB];
	_ =	sdelay $0x3  }
0x94: {  	_ =	strace s5  }
0x95: {  	s5 =	sld [smem:$0x3FFC];
	_ =	sdelay $0x3  }
0x96: {  	_ =	strace s5  }
0x97: {  	s5 =	sld [smem:$0x3FFD];
	_ =	sdelay $0x3  }
0x98: {  	_ =	strace s5  }
0x99: {  	_ =	strace $0x8FFFFFFF  }
0x9a: {  	s20 =	sld [smem:$0x3FDB];
	_ =	sdelay $0x1  }
0x9b: {  	s6 =	simm.s32 $_scs_section_size  }
0x9c: {  	s7 =	simm.s32 $_size__tile_overlayer_lowered;
	s8 =	simm.s32 $_tile_overlayer_lowered  }
0x9d: {  	s23 =	simm.s32 $0x1BFF;
	s22 =	sshll.u32 s8, $0x1;
	s5 =	sadd.s32 s6, s20  }
0x9e: {  	s9 =	simm.s32 $0x0;
	s21 =	sshll.u32 s7, $0x1;
	s7 =	sadd.s32 s22, s5  }
0x9f: {  	[timem:s9], [sflag:s23] =	dma.local [hbm:s7], s21  }
0xa0: {  	_ =	swait.ge [sflag:s23], s21  }
0xa1: {  	s6 =	ssub.s32 $0x0, s21;
	[sflag:s23] =	ssyncset.done $0x0  }
0xa2: {  	[sflag:s23] =	ssyncadd.s32 s6;
	_ =	sdelay $0x1  }
0xa3: {  	s24 =	simm.s32 $0x1B8B  }
0xa4: {  	_ =	swait.ge [sflag:s24], $0x1  }
0xa5: {  	[sflag:s24] =	ssyncset.done $0x0  }
0xa6: {  	s25 =	simm.s32 $0x1B8E;
	[sflag:s24] =	ssyncadd.s32 $0xFFFFFFFF  }
0xa7: {  	s26 =	simm.s32 $execute0_lowered;
	[smem:$0x3FD2] =	sst s25  }
0xa8: {  	s6 =	sshll.u32 s26, $0x1;
	_ =	strace $0x80000046;
	[dreg:$0x1] =	wrdreg $0xFFFFFFFF  }
0xa9: {  	s28 =	simm.s32 $_size_execute0_lowered;
	s5 =	sadd.s32 s5, s6;
	[dreg:$0x0] =	wrdreg $0x0  }
0xaa: {  	s6 =	sshll.u32 s28, $0x1;
	[dreg:$0x2] =	wrdreg s5  }
0xab: {  	[dreg:$0x3] =	wrdreg s6  }
0xac: {  	[dreg:$0x4] =	wrdreg $0xC0  }
0xad: {  	_ =	task [dreg:s9], $0x5FFFF  }
0xae: {  	[dreg:$0x1] =	wrdreg $0xFFFFFFFF  }
0xaf: {  	[dreg:$0x0] =	wrdreg $0x60  }
0xb0: {  	[dreg:$0x2] =	wrdreg s2  }
0xb1: {  	[dreg:$0x3] =	wrdreg s19  }
0xb2: {  	[dreg:$0x4] =	wrdreg s4  }
0xb3: {  	[dreg:$0x5] =	wrdreg $0x9  }
0xb4: {  	_ =	task.clear_ibuf [dreg:s9], $0x6FFFF;
	_ =	strace $0x90000046  }
0xb5: {  	s29 =	simm.s32 $0x9;
	_ =	strace $0x80000048  }
0xb6: {  	_ =	swait.ge [sflag:s29], $0x1  }
0xb7: {  	[sflag:s29] =	ssyncadd.s32 $0xFFFFFFFF  }
0xb8: {  	_ =	strace $0x90000048  }
0xb9: {  	_ =	sfence  }
0xba: {  	s30 =	sld [smem:$0x0];
	_ =	sdelay $0x2  }
0xbb: {  	s31 =	sshll.u32 s1, $0xD;
	s1 =	sshrl.u32 s1, $0x2  }
0xbc: {  	s3 =	sand.u32 $0x4000, s31;
	s1 =	sadd.s32 s1, s30  }
0xbd: {  	s0 =	sor.u32 s3, s0;
	s1 =	sshll.u32 s1, $0x11  }
0xbe: {  	s0 =	sor.u32 s1, s0  }
0xbf: {  	s0 =	sadd.s32 $0x8F2B, s0  }
0xc0: {  	[sflag:s0] =	ssyncadd.remote.s32 $0x1  }
0xc1: {  	_ =	sfence.sel $0xFFFF  }
0xc2: {  	[dreg:$0x0] =	wrdreg $0xFFFFFFFF;
	(pc) =	sbr.abs _section_cstart, $3  }
0xc3: {  	[dreg:$0x1] =	wrdreg $0xFFFFFFFF  }
0xc4: {  	_ =	task.clear_ibuf [dreg:s9], $0x2FFFF;
	_ =	strace $0x9FFFFFFF  }
0xc5: {  	(tm) =	ssettm $0x7FFFFFFF  }
tec
execute0_lowered:
.L_overlay_start_1:
0x0: {  	(tag) =	ssettag $0x1  }
0x1: {  	s2 =	srdreg.scid;
	s1 =	rddreg [dreg:$0x0]  }
0x2: {  	s0 =	stileid.u32;
	s3 =	rddreg [dreg:$0x1]  }
0x3: {  	s4 =	rddreg [dreg:$0x2];
	s7 =	simm.s32 $0x0;
	s8 =	sand.u32 $0x1, s2  }
0x4: {  	s13 =	simm.s32 $0x6000;
	s31 =	sshll.u32 s0, $0xB;
	s5 =	sshll.u32 s8, $0xA  }
0x5: {  	s14 =	simm.s32 $0x12000;
	s15 =	simm.s32 $0x18000;
	s5 =	sor.u32 s5, s31  }
0x6: {  	s16 =	simm.s32 $0x6;
	s17 =	simm.s32 $0x7;
	s9 =	sshrl.u32 s5, $0x3  }
0x7: {  	s18 =	simm.s32 $0x8;
	s6 =	sand.u32 $0x1C00, s5;
	s9 =	smul.u32 $0x300, s9  }
.Ltmp0:
0x8: {  	s19 =	simm.s32 $0x0;
	s10 =	sshrl.u32 s6, $0x3;
	(pc) =	sbr.rel .LBB2_1-.Ltmp0, $4  }
0x9: {  	[smem:$0x7FF] =	sst s7;
	s11 =	ssub.s32 $0x2, s8;
	s10 =	smul.u32 $0x300, s10  }
0xa: {  	s2 =	rddreg [dreg:$0x3];
	_ =	strace $0x80000047;
	s12 =	sshrl.u32 s11, $0x1  }
0xb: {  	s12 =	ssub.s32 s11, s12;
	s8 =	sadd.s32 s1, s9;
	s10 =	sadd.s32 s3, s10  }
0xc: {  	s12 =	smax.u32 s12, $0x1;
	s9 =	sadd.s32 $0xC00, s8;
	s11 =	sadd.s32 $0xC00, s10  }
.LBB2_7:
0xd: {  	_ =	swait.ge [sflag:s16], $0x6000  }
0xe: {  	[sflag:s16] =	ssyncset.done $0x0  }
0xf: {  	s19 =	sadd.s32 $0x1, s19;
	[sflag:s16] =	ssyncadd.s32 $0xFFFFA000  }
0x10: {  	p0 =	sne.s32 s19, s12;
	_ =	swait.ge [sflag:s17], $0x6000  }
.Ltmp1:
0x11: {  	[sflag:s17] =	ssyncset.done $0x0;
	(pc) =	sbr.rel @!p0 .LBB2_8-.Ltmp1, $4  }
0x12: {  	[sflag:s17] =	ssyncadd.s32 $0xFFFFA000  }
0x13: {  	_ =	swait.ge [sflag:s18], $0x6000  }
0x14: {  	[sflag:s18] =	ssyncset.done $0x0  }
0x15: {  	[sflag:s18] =	ssyncadd.s32 $0xFFFFA000  }
.LBB2_1:
0x16: {  	[tilespmem:s7], [sflag:$0x1] =	stream.linear.gather [hbm4b:s8+s7], $0x6000, $0x38;
	[tilespmem:$0x1E000] =	vst v63  }
0x17: {  	_ = 	snop  }
0x18: {  	[tilespmem:s13], [sflag:$0x2] =	stream.linear.gather [hbm4b:s9+s7], $0x6000, $0x38;
	[tilespmem:$0x1E000] =	vst v63  }
.Ltmp2:
0x19: {  	_ = 	snop;
	(pc) =	sbr.rel .LBB2_2-.Ltmp2, $4  }
0x1a: {  	_ = 	snop  }
0x1b: {  	[tilespmem:s14], [sflag:$0x4] =	stream.linear.gather [hbm4b:s10+s7], $0x6000, $0x38;
	[tilespmem:$0x1E000] =	vst v63  }
0x1c: {  	s20 =	simm.s32 $0x0  }
0x1d: {  	[tilespmem:s15], [sflag:$0x5] =	stream.linear.gather [hbm4b:s11+s7], $0x6000, $0x38;
	[tilespmem:$0x1E000] =	vst v63  }
.LBB2_3:
0x1e: {  	s21 =	sadd.s32 $0x2, s20  }
0x1f: {  	s22 =	smul.u32 $0xAB, s21;
	_ =	sdelay $0x1  }
0x20: {  	s22 =	sshrl.u32 s22, $0x9  }
0x21: {  	s22 =	sand.u32 $0x7F, s22  }
0x22: {  	s22 =	smul.u32 $0x3, s22;
	_ =	sdelay $0x1  }
0x23: {  	s22 =	ssub.s32 s21, s22;
	s21 =	sshll.u32 s21, $0x5  }
0x24: {  	p0 =	seq.s32 s20, $0x0;
	s22 =	sand.u32 $0xFF, s22;
	s21 =	sadd.s32 s5, s21  }
0x25: {  	s23 =	sadd.s32 @!p0 $0x6, s22;
	s21 =	sshrl.u32 s21, $0x3;
	s24 =	smul.u32 $0x18000, s22  }
0x26: {  	_ =	swait.ge @!p0 [sflag:s23], $0x6000;
	s21 =	smul.u32 $0x300, s21  }
0x27: {  	s22 =	sadd.s32 $0x1, s22;
	[sflag:s23] =	ssyncset.done @!p0 $0x0  }
0x28: {  	s31 =	sshrl.u32 s24, $0x2;
	[sflag:s23] =	ssyncadd.s32 @!p0 $0xFFFFA000;
	s21 =	sadd.s32 s1, s21  }
0x29: {  	[tilespmem:s31], [sflag:s22] =	stream.linear.gather [hbm4b:s21+s7], $0x6000, $0x38;
	[tilespmem:$0x1E000] =	vst v63  }
.LBB2_5:
0x2a: {  	s21 =	sadd.s32 $0x1, s20  }
0x2b: {  	s22 =	sshll.u32 s21, $0x5  }
0x2c: {  	s23 =	sand.u32 $0x1, s21;
	s22 =	sadd.s32 s6, s22  }
0x2d: {  	s24 =	smul.u32 $0x18000, s23;
	s22 =	sshrl.u32 s22, $0x3  }
0x2e: {  	s22 =	smul.u32 $0x300, s22  }
0x2f: {  	s24 =	sshrl.u32 s24, $0x2  }
0x30: {  	s23 =	sor.u32 $0x4, s23;
	s24 =	sadd.s32 $0x12000, s24;
	s22 =	sadd.s32 s3, s22  }
0x31: {  	[tilespmem:s24], [sflag:s23] =	stream.linear.gather [hbm4b:s22+s7], $0x6000, $0x38;
	[tilespmem:$0x1E000] =	vst v63  }
.LBB2_6:
0x32: {  	s22 =	smul.u32 $0xAB, s20;
	_ =	sdelay $0x1  }
0x33: {  	s22 =	sshrl.u32 s22, $0x9  }
0x34: {  	s22 =	sand.u32 $0x7F, s22  }
0x35: {  	s22 =	smul.u32 $0x3, s22;
	_ =	sdelay $0x1  }
0x36: {  	s22 =	ssub.s32 s20, s22  }
0x37: {  	s22 =	sand.u32 $0xFF, s22  }
0x38: {  	s24 =	sand.u32 $0x1, s20;
	s28 =	sshll.u32 s20, $0x5;
	s23 =	sadd.s32 $0x1, s22  }
0x39: {  	p0 =	slt.u32 s21, $0x20;
	s20 =	sor.u32 s5, s28;
	_ =	swait.ge [sflag:s23], $0x6000  }
0x3a: {  	s20 =	sshrl.u32 s20, $0x3;
	s30 =	smul.u32 $0x18000, s22;
	[sflag:s23] =	ssyncset.done $0x0  }
0x3b: {  	s29 =	sor.u32 $0x4, s24;
	s20 =	smul.u32 $0x300, s20;
	[sflag:s23] =	ssyncadd.s32 $0xFFFFA000  }
.Ltmp3:
0x3c: {  	_ =	swait.ge [sflag:s29], $0x6000;
	(pc) =	sbr.rel @!p0 .LBB2_7-.Ltmp3, $4  }
0x3d: {  	s22 =	sadd.s32 $0x6, s22;
	[sflag:s29] =	ssyncset.done $0x0  }
0x3e: {  	s31 =	sshrl.u32 s30, $0x2;
	s20 =	sadd.s32 s4, s20;
	[sflag:s29] =	ssyncadd.s32 $0xFFFFA000  }
0x3f: {  	[hbm4b:s20+s7] =	stream.linear.scatter [tilespmem:s31], [sflag:s22], $0x6000, $0x38;
	[tilespmem:$0x1E000] =	vst v63  }
0x40: {  	s20 =	smov.u32 s21  }
.LBB2_2:
0x41: {  	p0 =	sgt.u32 s20, $0x1D  }
.Ltmp4:
0x42: {  	_ = 	snop;
	(pc) =	sbr.rel @!p0 .LBB2_3-.Ltmp4, $1  }
0x43: {  	_ =	sdelay $0x3  }
0x44: {  	p0 =	seq.s32 s20, $0x1F  }
.Ltmp5:
0x45: {  	_ = 	snop;
	(pc) =	sbr.rel @p0 .LBB2_6-.Ltmp5, $4  }
.Ltmp6:
0x46: {  	_ = 	snop;
	(pc) =	sbr.rel @!p0 .LBB2_5-.Ltmp6, $4  }
0x47: {  	_ = 	snop  }
0x48: {  	_ = 	snop  }
0x49: {  	s21 =	simm.s32 $0x20  }
0x4a: {  	_ = 	snop  }
.LBB2_8:
0x4b: {  	_ =	sfence.sel $0x180000  }
0x4c: {  	[bflag:$0x0] =	sbarrier.arrive $0xFFFF  }
0x4d: {  	p0 =	sne.s32 s0, $0x0;
	_ =	strace $0x90000047  }
0x4e: {  	s0 =	sadd.s32 @!p0 $0x100000, s2;
	[bflag:$0x2] =	sbarrier.arrive $0xFFFF  }
0x4f: {  	[sflag:s0] =	ssyncadd.tile.s32 @!p0 $0x1;
	_ =	shalt  }
.Lfunc_end2:
_tile_overlayer_lowered:
.L_overlay_start_2:
0x50: {  	(tag) =	ssettag $0x2  }
0x51: {  	s0 =	rddreg [dreg:$0x0];
	s2 =	stileid.u32  }
0x52: {  	s1 =	rddreg [dreg:$0x1];
	p0 =	sne.s32 s2, $0x0  }
0x53: {  	s3 =	rddreg [dreg:$0x2];
	[bflag:$0x3] =	sbarrier.arrive $0xFFFF;
	s2 =	simm.s32 @!p0 $0x1C09  }
0x54: {  	[timem:s3], [sflag:s2] =	dma.local @!p0 [hbm:s0], s1  }
0x55: {  	s0 =	simm.s32 @!p0 $0x9  }
0x56: {  	_ =	swait.ge @!p0 [sflag:s0], s1  }
0x57: {  	s1 =	ssub.s32 @!p0 $0x0, s1;
	[sflag:s0] =	ssyncset.done @!p0 $0x0  }
0x58: {  	[sflag:s0] =	ssyncadd.s32 @!p0 s1  }
0x59: {  	[bflag:$0x3] =	sbarrier.arrive $0xFFFF  }
0x5a: {  	_ =	shalt  }

</sc_bundles>
